<compile_context>
chip_gen: v7x
topology: tpu7x:2x2x1
jax: 0.10.2.dev20260603
libtpu: 0.0.44.dev20260713+nightly
codegen_flags: <defaults>
</compile_context>

<pallas_src>
import functools

import jax
import jax.numpy as jnp
from jax import lax
from jax.experimental import pallas as pl
from jax.experimental.pallas import tpu as pltpu
from jax.experimental.pallas import tpu_sc as plsc


def _add_body(x_ref, p_ref, o_ref):
    o_ref[...] = x_ref[...] + p_ref[...][None]


def _tc_kernel(x, pos_table):
    B, S, D = x.shape
    BS = 512
    return pl.pallas_call(
        _add_body,
        grid=(S // BS,),
        in_specs=[
            pl.BlockSpec((B, BS, D), lambda s: (0, s, 0)),
            pl.BlockSpec((BS, D), lambda s: (s, 0)),
        ],
        out_specs=pl.BlockSpec((B, BS, D), lambda s: (0, s, 0)),
        out_shape=jax.ShapeDtypeStruct(x.shape, x.dtype),
    )(x, pos_table)



_NC, _NS = 2, 16
_NW = _NC * _NS
_CS = 16
_D = 1024
_CHUNK = _CS * _D


def _sc_body(x_hbm, pos_hbm, out_hbm, pbuf, xbuf, *, b_start=0, b_count=4, S=8192):
    seq_per_w = S // _NW
    nch = seq_per_w // _CS
    wid = lax.axis_index("s") * _NC + lax.axis_index("c")
    base = wid * seq_per_w * _D

    def chunk_body(j, _):
        pos_off = pl.multiple_of(base + j * _CHUNK, 8)
        pltpu.sync_copy(pos_hbm.at[pl.ds(pos_off, _CHUNK)], pbuf)

        def batch_body(b, _):
            x_off = pl.multiple_of((b_start + b) * (S * _D) + pos_off, 8)
            out_off = pl.multiple_of(b * (S * _D) + pos_off, 8)
            pltpu.sync_copy(x_hbm.at[pl.ds(x_off, _CHUNK)], xbuf)

            def add_body(i, _):
                o = pl.multiple_of(i * 64, 16)
                for u in range(4):
                    s = pl.ds(o + u * 16, 16)
                    xbuf[s] = xbuf[s] + pbuf[s]
                return 0

            lax.fori_loop(0, _CHUNK // 64, add_body, 0)
            pltpu.sync_copy(xbuf, out_hbm.at[pl.ds(out_off, _CHUNK)])
            return 0

        lax.fori_loop(0, b_count, batch_body, 0)
        return 0

    lax.fori_loop(0, nch, chunk_body, 0)


def _sc_kernel(x, pos_table, b_start, b_count):
    B, S, D = x.shape
    mesh = plsc.VectorSubcoreMesh(core_axis_name="c", subcore_axis_name="s")
    out_flat = pl.kernel(
        functools.partial(_sc_body, b_start=b_start, b_count=b_count, S=S),
        out_type=jax.ShapeDtypeStruct((b_count * S * D,), jnp.float32),
        mesh=mesh,
        scratch_types=[
            pltpu.VMEM((_CHUNK,), jnp.float32),
            pltpu.VMEM((_CHUNK,), jnp.float32),
        ],
    )(x.reshape(-1), pos_table.reshape(-1))
    return out_flat.reshape(b_count, S, D)


def _tc_partial_kernel(x, pos_table, b_count):
    B, S, D = x.shape
    BS = 512
    return pl.pallas_call(
        _add_body,
        grid=(S // BS, b_count),
        in_specs=[
            pl.BlockSpec((1, BS, D), lambda s, b: (b, s, 0)),
            pl.BlockSpec((BS, D), lambda s, b: (s, 0)),
        ],
        out_specs=pl.BlockSpec((1, BS, D), lambda s, b: (b, s, 0)),
        out_shape=jax.ShapeDtypeStruct(x.shape, x.dtype),
    )(x, pos_table)


def kernel(x, pos_table):
    B, S, D = x.shape
    tc_out = _tc_partial_kernel(x, pos_table, 3)
    sc_out = _sc_kernel(x, pos_table, 3, 1)
    return jax.lax.dynamic_update_slice(tc_out, sc_out, (3, 0, 0))

# --- scband reference (transcript-rebuilt; emitter-appended) ---
"""Pipeline reference for scband-learned-positional-encoding-64802466562181 (READ-ONLY COPY).

The authoritative reference and input builder live on the scoring server;
editing this copy changes nothing except your own understanding.
"""

import jax, jax.numpy as jnp
import numpy as np

MAX_LEN = 8192
D_MODEL = 1024

def setup_inputs(seed: int = 0) -> dict:
    key = jax.random.key(seed)
    k1, k2 = jax.random.split(key)
    x = jax.random.normal(k1, (4, 8192, 1024), dtype=jnp.float32)
    # nn.Embedding default init: N(0, 1)
    pos_table = jax.random.normal(k2, (MAX_LEN, D_MODEL), dtype=jnp.float32)
    return {"x": x, "pos_table": pos_table}

def reference(x, pos_table):
    seq_len = x.shape[1]
    positions = jnp.arange(seq_len)
    pos_embeds = jnp.take(pos_table, positions, axis=0)
    return x + pos_embeds

if __name__ == "__main__":
    import jax
    _d = setup_inputs()
    print(jax.jit(kernel)(*tuple(_d.values())))

</pallas_src>

<mosaic_0001>
#map = affine_map<(d0, d1) -> (0)>
module attributes {stable_mosaic.version = 14 : i64} {
  func.func @_sc_body(%arg0: i32, %arg1: i32, %arg2: memref<33554432xf32, #tpu.memory_space<hbm>>, %arg3: memref<8388608xf32, #tpu.memory_space<hbm>>, %arg4: memref<8388608xf32, #tpu.memory_space<hbm>>, %arg5: memref<16384xf32, #tpu.memory_space<vmem>>, %arg6: memref<16384xf32, #tpu.memory_space<vmem>>) attributes {dimension_semantics = [#tpu.dimension_semantics<core_parallel>, #tpu.dimension_semantics<subcore_parallel>], iteration_bounds = array<i64: 2, 16>, scalar_prefetch = 0 : i64, scratch_operands = 2 : i64, tpu.core_type = #tpu.core_type<sc_vector_subcore>, window_params = [{transform_indices = #map}, {transform_indices = #map}, {transform_indices = #map}]} {
    %mul3A = arith.constant 2 : i32
    %mul3A_0 = arith.muli %arg1, %mul3A : i32
    %add3A = arith.addi %mul3A_0, %arg0 : i32
    %mul3A_1 = arith.constant 256 : i32
    %mul3A_2 = arith.muli %add3A, %mul3A_1 : i32
    %mul3A_3 = arith.constant 1024 : i32
    %mul3A_4 = arith.muli %mul3A_2, %mul3A_3 : i32
    %scan3A = arith.constant 0 : i32
    %scan3A_5 = arith.constant 0 : i32
    %scan3A_6 = arith.constant 16 : i32
    %scan3A_7 = arith.addi %scan3A_5, %scan3A_6 : i32
    %scan3A_8 = arith.constant 1 : i32
    %scan3A_9 = scf.for %scan3A_11 = %scan3A_5 to %scan3A_7 step %scan3A_8 iter_args(%scan3A_12 = %scan3A) -> (i32)  : i32 {
      %mul3A_13 = arith.constant 16384 : i32
      %mul3A_14 = arith.muli %scan3A_11, %mul3A_13 : i32
      %add3A_15 = arith.addi %mul3A_4, %mul3A_14 : i32
      %multiple_of3A = tpu.assume_multiple %add3A_15, 8 : i32
      "tpu.region"() ({
        %run_scoped3A = tpu.sem_alloc : memref<!tpu.dma_semaphore, #tpu.memory_space<semaphore_mem>>
        %dma_start3A = tpu.memref_slice %arg3[%multiple_of3A] : memref<8388608xf32, #tpu.memory_space<hbm>> -> memref<16384xf32, #tpu.memory_space<hbm>>
        %dma_start3A_38 = tpu.memref_slice %arg3[%multiple_of3A] : memref<8388608xf32, #tpu.memory_space<hbm>> -> memref<16384xf32, #tpu.memory_space<hbm>>
        tpu.enqueue_dma source(%dma_start3A_38 : memref<16384xf32, #tpu.memory_space<hbm>>) target(%arg5 : memref<16384xf32, #tpu.memory_space<vmem>>) target_semaphore(%run_scoped3A : memref<!tpu.dma_semaphore, #tpu.memory_space<semaphore_mem>>)
        %dma_wait3A = tpu.memref_slice %arg3[%multiple_of3A] : memref<8388608xf32, #tpu.memory_space<hbm>> -> memref<16384xf32, #tpu.memory_space<hbm>>
        %dma_wait3A_39 = tpu.memref_slice %arg3[%multiple_of3A] : memref<8388608xf32, #tpu.memory_space<hbm>> -> memref<16384xf32, #tpu.memory_space<hbm>>
        tpu.wait_dma2 semaphore(%run_scoped3A : memref<!tpu.dma_semaphore, #tpu.memory_space<semaphore_mem>>) src(%dma_wait3A_39 : memref<16384xf32, #tpu.memory_space<hbm>>) dst(%arg5 : memref<16384xf32, #tpu.memory_space<vmem>>)
        tpu.yield
      }) : () -> ()
      %scan3A_16 = arith.constant 0 : i32
      %scan3A_17 = arith.constant 0 : i32
      %add3A_18 = arith.constant 3 : i32
      %add3A_19 = arith.addi %add3A_18, %scan3A_17 : i32
      %mul3A_20 = arith.constant 8388608 : i32
      %mul3A_21 = arith.muli %add3A_19, %mul3A_20 : i32
      %add3A_22 = arith.addi %mul3A_21, %multiple_of3A : i32
      %multiple_of3A_23 = tpu.assume_multiple %add3A_22, 8 : i32
      %mul3A_24 = arith.constant 8388608 : i32
      %mul3A_25 = arith.muli %scan3A_17, %mul3A_24 : i32
      %add3A_26 = arith.addi %mul3A_25, %multiple_of3A : i32
      %multiple_of3A_27 = tpu.assume_multiple %add3A_26, 8 : i32
      "tpu.region"() ({
        %run_scoped3A = tpu.sem_alloc : memref<!tpu.dma_semaphore, #tpu.memory_space<semaphore_mem>>
        %dma_start3A = tpu.memref_slice %arg2[%multiple_of3A_23] : memref<33554432xf32, #tpu.memory_space<hbm>> -> memref<16384xf32, #tpu.memory_space<hbm>>
        %dma_start3A_38 = tpu.memref_slice %arg2[%multiple_of3A_23] : memref<33554432xf32, #tpu.memory_space<hbm>> -> memref<16384xf32, #tpu.memory_space<hbm>>
        tpu.enqueue_dma source(%dma_start3A_38 : memref<16384xf32, #tpu.memory_space<hbm>>) target(%arg6 : memref<16384xf32, #tpu.memory_space<vmem>>) target_semaphore(%run_scoped3A : memref<!tpu.dma_semaphore, #tpu.memory_space<semaphore_mem>>)
        %dma_wait3A = tpu.memref_slice %arg2[%multiple_of3A_23] : memref<33554432xf32, #tpu.memory_space<hbm>> -> memref<16384xf32, #tpu.memory_space<hbm>>
        %dma_wait3A_39 = tpu.memref_slice %arg2[%multiple_of3A_23] : memref<33554432xf32, #tpu.memory_space<hbm>> -> memref<16384xf32, #tpu.memory_space<hbm>>
        tpu.wait_dma2 semaphore(%run_scoped3A : memref<!tpu.dma_semaphore, #tpu.memory_space<semaphore_mem>>) src(%dma_wait3A_39 : memref<16384xf32, #tpu.memory_space<hbm>>) dst(%arg6 : memref<16384xf32, #tpu.memory_space<vmem>>)
        tpu.yield
      }) : () -> ()
      %scan3A_28 = arith.constant 0 : i32
      %scan3A_29 = arith.constant 0 : i32
      %scan3A_30 = arith.constant 256 : i32
      %scan3A_31 = arith.addi %scan3A_29, %scan3A_30 : i32
      %scan3A_32 = arith.constant 1 : i32
      %scan3A_33 = scf.for %scan3A_38 = %scan3A_29 to %scan3A_31 step %scan3A_32 iter_args(%scan3A_39 = %scan3A_28) -> (i32)  : i32 {
        %mul3A_40 = arith.constant 64 : i32
        %mul3A_41 = arith.muli %scan3A_38, %mul3A_40 : i32
        %multiple_of3A_42 = tpu.assume_multiple %mul3A_41, 16 : i32
        %add3A_43 = arith.constant 0 : i32
        %add3A_44 = arith.addi %multiple_of3A_42, %add3A_43 : i32
        %get3A = arith.index_cast %add3A_44 : i32 to index
        %get3A_45 = tpu.vector_load %arg6[%get3A] {strides = array<i32>} : memref<16384xf32, #tpu.memory_space<vmem>>, vector<16xf32>,
        %get3A_46 = vector.shape_cast %get3A_45 : vector<16xf32> to vector<16xf32>
        %get3A_47 = arith.index_cast %add3A_44 : i32 to index
        %get3A_48 = tpu.vector_load %arg5[%get3A_47] {strides = array<i32>} : memref<16384xf32, #tpu.memory_space<vmem>>, vector<16xf32>,
        %get3A_49 = vector.shape_cast %get3A_48 : vector<16xf32> to vector<16xf32>
        %add3A_50 = arith.addf %get3A_46, %get3A_49 : vector<16xf32>
        %swap3A = arith.index_cast %add3A_44 : i32 to index
        %swap3A_51 = tpu.vector_load %arg6[%swap3A] {strides = array<i32>} : memref<16384xf32, #tpu.memory_space<vmem>>, vector<16xf32>,
        %swap3A_52 = vector.shape_cast %swap3A_51 : vector<16xf32> to vector<16xf32>
        %swap3A_53 = vector.shape_cast %add3A_50 : vector<16xf32> to vector<16xf32>
        tpu.vector_store %arg6[%swap3A], %swap3A_53 {strides = array<i32>} : memref<16384xf32, #tpu.memory_space<vmem>>, vector<16xf32>,
        %add3A_54 = arith.constant 16 : i32
        %add3A_55 = arith.addi %multiple_of3A_42, %add3A_54 : i32
        %get3A_56 = arith.index_cast %add3A_55 : i32 to index
        %get3A_57 = tpu.vector_load %arg6[%get3A_56] {strides = array<i32>} : memref<16384xf32, #tpu.memory_space<vmem>>, vector<16xf32>,
        %get3A_58 = vector.shape_cast %get3A_57 : vector<16xf32> to vector<16xf32>
        %get3A_59 = arith.index_cast %add3A_55 : i32 to index
        %get3A_60 = tpu.vector_load %arg5[%get3A_59] {strides = array<i32>} : memref<16384xf32, #tpu.memory_space<vmem>>, vector<16xf32>,
        %get3A_61 = vector.shape_cast %get3A_60 : vector<16xf32> to vector<16xf32>
        %add3A_62 = arith.addf %get3A_58, %get3A_61 : vector<16xf32>
        %swap3A_63 = arith.index_cast %add3A_55 : i32 to index
        %swap3A_64 = tpu.vector_load %arg6[%swap3A_63] {strides = array<i32>} : memref<16384xf32, #tpu.memory_space<vmem>>, vector<16xf32>,
        %swap3A_65 = vector.shape_cast %swap3A_64 : vector<16xf32> to vector<16xf32>
        %swap3A_66 = vector.shape_cast %add3A_62 : vector<16xf32> to vector<16xf32>
        tpu.vector_store %arg6[%swap3A_63], %swap3A_66 {strides = array<i32>} : memref<16384xf32, #tpu.memory_space<vmem>>, vector<16xf32>,
        %add3A_67 = arith.constant 32 : i32
        %add3A_68 = arith.addi %multiple_of3A_42, %add3A_67 : i32
        %get3A_69 = arith.index_cast %add3A_68 : i32 to index
        %get3A_70 = tpu.vector_load %arg6[%get3A_69] {strides = array<i32>} : memref<16384xf32, #tpu.memory_space<vmem>>, vector<16xf32>,
        %get3A_71 = vector.shape_cast %get3A_70 : vector<16xf32> to vector<16xf32>
        %get3A_72 = arith.index_cast %add3A_68 : i32 to index
        %get3A_73 = tpu.vector_load %arg5[%get3A_72] {strides = array<i32>} : memref<16384xf32, #tpu.memory_space<vmem>>, vector<16xf32>,
        %get3A_74 = vector.shape_cast %get3A_73 : vector<16xf32> to vector<16xf32>
        %add3A_75 = arith.addf %get3A_71, %get3A_74 : vector<16xf32>
        %swap3A_76 = arith.index_cast %add3A_68 : i32 to index
        %swap3A_77 = tpu.vector_load %arg6[%swap3A_76] {strides = array<i32>} : memref<16384xf32, #tpu.memory_space<vmem>>, vector<16xf32>,
        %swap3A_78 = vector.shape_cast %swap3A_77 : vector<16xf32> to vector<16xf32>
        %swap3A_79 = vector.shape_cast %add3A_75 : vector<16xf32> to vector<16xf32>
        tpu.vector_store %arg6[%swap3A_76], %swap3A_79 {strides = array<i32>} : memref<16384xf32, #tpu.memory_space<vmem>>, vector<16xf32>,
        %add3A_80 = arith.constant 48 : i32
        %add3A_81 = arith.addi %multiple_of3A_42, %add3A_80 : i32
        %get3A_82 = arith.index_cast %add3A_81 : i32 to index
        %get3A_83 = tpu.vector_load %arg6[%get3A_82] {strides = array<i32>} : memref<16384xf32, #tpu.memory_space<vmem>>, vector<16xf32>,
        %get3A_84 = vector.shape_cast %get3A_83 : vector<16xf32> to vector<16xf32>
        %get3A_85 = arith.index_cast %add3A_81 : i32 to index
        %get3A_86 = tpu.vector_load %arg5[%get3A_85] {strides = array<i32>} : memref<16384xf32, #tpu.memory_space<vmem>>, vector<16xf32>,
        %get3A_87 = vector.shape_cast %get3A_86 : vector<16xf32> to vector<16xf32>
        %add3A_88 = arith.addf %get3A_84, %get3A_87 : vector<16xf32>
        %swap3A_89 = arith.index_cast %add3A_81 : i32 to index
        %swap3A_90 = tpu.vector_load %arg6[%swap3A_89] {strides = array<i32>} : memref<16384xf32, #tpu.memory_space<vmem>>, vector<16xf32>,
        %swap3A_91 = vector.shape_cast %swap3A_90 : vector<16xf32> to vector<16xf32>
        %swap3A_92 = vector.shape_cast %add3A_88 : vector<16xf32> to vector<16xf32>
        tpu.vector_store %arg6[%swap3A_89], %swap3A_92 {strides = array<i32>} : memref<16384xf32, #tpu.memory_space<vmem>>, vector<16xf32>,
        %scan3A_93 = arith.constant 0 : i32
        scf.yield %scan3A_93 : i32
      }
      %scan3A_34 = arith.constant 256 : i32
      "tpu.region"() ({
        %run_scoped3A = tpu.sem_alloc : memref<!tpu.dma_semaphore, #tpu.memory_space<semaphore_mem>>
        %dma_start3A = tpu.memref_slice %arg4[%multiple_of3A_27] : memref<8388608xf32, #tpu.memory_space<hbm>> -> memref<16384xf32, #tpu.memory_space<hbm>>
        %dma_start3A_38 = tpu.memref_slice %arg4[%multiple_of3A_27] : memref<8388608xf32, #tpu.memory_space<hbm>> -> memref<16384xf32, #tpu.memory_space<hbm>>
        tpu.enqueue_dma source(%arg6 : memref<16384xf32, #tpu.memory_space<vmem>>) target(%dma_start3A_38 : memref<16384xf32, #tpu.memory_space<hbm>>) target_semaphore(%run_scoped3A : memref<!tpu.dma_semaphore, #tpu.memory_space<semaphore_mem>>)
        %dma_wait3A = tpu.memref_slice %arg4[%multiple_of3A_27] : memref<8388608xf32, #tpu.memory_space<hbm>> -> memref<16384xf32, #tpu.memory_space<hbm>>
        %dma_wait3A_39 = tpu.memref_slice %arg4[%multiple_of3A_27] : memref<8388608xf32, #tpu.memory_space<hbm>> -> memref<16384xf32, #tpu.memory_space<hbm>>
        tpu.wait_dma2 semaphore(%run_scoped3A : memref<!tpu.dma_semaphore, #tpu.memory_space<semaphore_mem>>) src(%arg6 : memref<16384xf32, #tpu.memory_space<vmem>>) dst(%dma_wait3A_39 : memref<16384xf32, #tpu.memory_space<hbm>>)
        tpu.yield
      }) : () -> ()
      %scan3A_35 = arith.constant 0 : i32
      %scan3A_36 = arith.constant 1 : i32
      %scan3A_37 = arith.constant 0 : i32
      scf.yield %scan3A_37 : i32
    }
    %scan3A_10 = arith.constant 16 : i32
    return
  }
}

module attributes {stable_mosaic.version = 14 : i64} {
  func.func @_add_body(%arg0: i32, %arg1: i32, %arg2: memref<1x512x1024xf32, #tpu.memory_space<vmem>>, %arg3: memref<512x1024xf32, #tpu.memory_space<vmem>>, %arg4: memref<1x512x1024xf32, #tpu.memory_space<vmem>>) attributes {dimension_semantics = [#tpu.dimension_semantics<arbitrary>, #tpu.dimension_semantics<arbitrary>], iteration_bounds = array<i64: 16, 3>, scalar_prefetch = 0 : i64, scratch_operands = 0 : i64, tpu.core_type = #tpu.core_type<tc>, window_params = [{transform_indices = @transform_0, window_bounds = array<i64: 1, 512, 1024>}, {transform_indices = @transform_1, window_bounds = array<i64: 512, 1024>}, {transform_indices = @transform_2, window_bounds = array<i64: 1, 512, 1024>}]} {
    %get3A = arith.constant 0 : index
    %get3A_0 = arith.constant 0 : index
    %get3A_1 = arith.constant 0 : index
    %get3A_2 = vector.load %arg2[%get3A, %get3A_0, %get3A_1] : memref<1x512x1024xf32, #tpu.memory_space<vmem>>, vector<1x512x1024xf32>
    %get3A_3 = arith.constant 0 : index
    %get3A_4 = arith.constant 0 : index
    %get3A_5 = vector.load %arg3[%get3A_3, %get3A_4] : memref<512x1024xf32, #tpu.memory_space<vmem>>, vector<512x1024xf32>
    %broadcast_in_dim3A = vector.shape_cast %get3A_5 : vector<512x1024xf32> to vector<1x512x1024xf32>
    %add3A = arith.addf %get3A_2, %broadcast_in_dim3A : vector<1x512x1024xf32>
    %swap3A = arith.constant 0 : index
    %swap3A_6 = arith.constant 0 : index
    %swap3A_7 = arith.constant 0 : index
    %swap3A_8 = vector.load %arg4[%swap3A, %swap3A_6, %swap3A_7] : memref<1x512x1024xf32, #tpu.memory_space<vmem>>, vector<1x512x1024xf32>
    tpu.vector_store %arg4[%swap3A, %swap3A_6, %swap3A_7], %add3A {strides = array<i32>} : memref<1x512x1024xf32, #tpu.memory_space<vmem>>, vector<1x512x1024xf32>,
    return
  }
  func.func @transform_0(%arg0: i32, %arg1: i32) -> (i32, i32, i32) {
    %c0_i32 = arith.constant 0 : i32
    %c0_i32_0 = arith.constant 0 : i32
    return %arg1, %arg0, %c0_i32 : i32, i32, i32
  }
  func.func @transform_1(%arg0: i32, %arg1: i32) -> (i32, i32) {
    %c0_i32 = arith.constant 0 : i32
    %c0_i32_0 = arith.constant 0 : i32
    return %arg0, %c0_i32 : i32, i32
  }
  func.func @transform_2(%arg0: i32, %arg1: i32) -> (i32, i32, i32) {
    %c0_i32 = arith.constant 0 : i32
    %c0_i32_0 = arith.constant 0 : i32
    return %arg1, %arg0, %c0_i32 : i32, i32, i32
  }
}

</mosaic_0001>

<sc_bundles>
// kernel: kernel.4.cloned.1.call-start
scs
__scs_entry_jumppad:
0x0: {  	(pc) =	sbr.rel $0x88, $3  }
0x1: {  	(tag) =	ssettag $0x0;
	lr =	simm.s32 $0x1  }
0x2: {  	[smem:$0x3F9F] =	sst lr;
	_ =	strace $0xD0000000  }
0x3: {  	_ = 	snop  }
0x4: {  	_ = 	snop  }
0x5: {  	_ = 	snop  }
0x6: {  	_ = 	snop  }
0x7: {  	_ = 	snop  }
__scs_overlays_trampoline_lowered:
0x8: {  	[smem:$0x3FAE] =	sst s0  }
0x9: {  	[smem:$0x3FAF] =	sst s1  }
0xa: {  	[smem:$0x3FB0] =	sst s2  }
0xb: {  	[smem:$0x3FB1] =	sst s3  }
0xc: {  	[smem:$0x3FB2] =	sst s4  }
0xd: {  	[smem:$0x3FB3] =	sst s5  }
0xe: {  	[smem:$0x3FB4] =	sst s6  }
0xf: {  	[smem:$0x3FB5] =	sst s7  }
0x10: {  	[smem:$0x3FB6] =	sst s8  }
0x11: {  	[smem:$0x3FB7] =	sst s9;
	s0 =	simm.s32 @!p0 $0x0  }
0x12: {  	s1 =	sld [smem:$0x3F9D];
	s0 =	simm.s32 @p0 $0x1  }
0x13: {  	[smem:$0x3FB8] =	sst s0;
	s0 =	simm.s32 @!p1 $0x0  }
0x14: {  	s2 =	sld [smem:$0x3F9C];
	s0 =	simm.s32 @p1 $0x1  }
0x15: {  	[smem:$0x3FB9] =	sst s0;
	s0 =	simm.s32 @!p2 $0x0  }
0x16: {  	s3 =	sld [smem:$0x3FDB];
	s0 =	simm.s32 @p2 $0x1  }
0x17: {  	s4 =	simm.s32 $0x1BF5;
	[smem:$0x3FBB] =	sst s0  }
0x18: {  	s0 =	sld [smem:$0x3F9E];
	_ =	swait.ge [sflag:s4], $0x0  }
0x19: {  	s7 =	sld [smem:$0x3F9F]  }
0x1a: {  	s8 =	sadd.s32 $0xFFFFE003, lr  }
0x1b: {  	s9 =	sadd.s32 $0xFFFFFEF7, lr;
	s5 =	simm.s32 $0xFFFFFFFF;
	p2 =	slt.u32 s8, $0xFFFFF086  }
0x1c: {  	p1 =	slt.u32 s9, $0xF7A;
	s5 =	simm.s32 @!p2 $0x0  }
0x1d: {  	s5 =	simm.s32 @p1 $0x1;
	p0 =	seq.s32 s7, s2  }
0x1e: {  	s7 =	smul.u32 @!p0 $0xF7A, s2;
	p2 =	seq.s32 @!p0 s5, $0x0  }
0x1f: {  	s9 =	smul.u32 $0xF7A, s1;
	s8 =	simm.s32 @!p0 $0x1BF5;
	p2 =	por !p2, p0  }
0x20: {  	[sflag:s8] =	ssyncset.s32 @!p0 $0xFFFFF086;
	s6 =	sadd.s32 @!p0 s3, s7;
	s7 =	simm.s32 @!p0 $0x108  }
0x21: {  	s3 =	sadd.s32 s3, s9;
	s6 =	sadd.s32 @!p0 $0x88, s6;
	s7 =	simm.s32 @p2 $0x1082  }
0x22: {  	[simem:s7], [sflag:s8] =	dma.local @!p0 [hbm:s6], $0xF7A  }
0x23: {  	s9 =	sor.u32 $0xD0000000, s2;
	s6 =	simm.s32 $0x108;
	_ =	swait.ge @!p0 [sflag:s8], $0x0  }
0x24: {  	s3 =	sadd.s32 $0x88, s3;
	s6 =	simm.s32 @!p1 $0x1082;
	[sflag:s4] =	ssyncset.s32 $0xFFFFF086  }
0x25: {  	[simem:s6], [sflag:s4] =	dma.local [hbm:s3], $0xF7A  }
0x26: {  	[smem:$0x3F9F] =	sst s1;
	(tag) =	ssettag s2;
	_ =	strace s9  }
0x27: {  	s1 =	sld [smem:$0x3FAF]  }
0x28: {  	s2 =	sld [smem:$0x3FB0]  }
0x29: {  	s4 =	sld [smem:$0x3FB2]  }
0x2a: {  	p0 =	seq.s32 s5, $0x0;
	s5 =	sld [smem:$0x3FB3]  }
0x2b: {  	s6 =	sld [smem:$0x3FB4]  }
0x2c: {  	s7 =	sld [smem:$0x3FB5]  }
0x2d: {  	s3 =	simm.s32 $0x108;
	s8 =	sld [smem:$0x3FB6]  }
0x2e: {  	s3 =	simm.s32 @!p0 $0x1082;
	s9 =	sld [smem:$0x3FB7]  }
0x2f: {  	lr =	sadd.s32 s0, s3;
	s0 =	sld [smem:$0x3FAE]  }
0x30: {  	s3 =	sld [smem:$0x3FB1]  }
0x31: {  	[smem:$0x3FBA] =	sst s10  }
0x32: {  	s10 =	sld [smem:$0x3FB8];
	_ =	sdelay $0x3  }
0x33: {  	p0 =	seq.s32 s10, $0x1;
	s10 =	sld [smem:$0x3FBA];
	_ =	sdelay $0x3  }
0x34: {  	[smem:$0x3FBA] =	sst s10  }
0x35: {  	s10 =	sld [smem:$0x3FB9];
	_ =	sdelay $0x3  }
0x36: {  	p1 =	seq.s32 s10, $0x1;
	s10 =	sld [smem:$0x3FBA];
	_ =	sdelay $0x3  }
0x37: {  	[smem:$0x3FBA] =	sst s10  }
0x38: {  	s10 =	sld [smem:$0x3FBB]  }
0x39: {  	_ = 	snop;
	(pc) =	sbr.ind lr, $3  }
0x3a: {  	_ = 	snop  }
0x3b: {  	_ = 	snop  }
0x3c: {  	p2 =	seq.s32 s10, $0x1;
	s10 =	sld [smem:$0x3FBA]  }
0x3d: {  	_ =	shalt  }
0x3e: {  	_ =	shalt  }
0x3f: {  	_ =	shalt  }
0x40: {  	_ =	shalt  }
0x41: {  	_ =	shalt  }
0x42: {  	_ =	shalt  }
0x43: {  	_ =	shalt  }
0x44: {  	_ =	shalt  }
0x45: {  	_ =	shalt  }
0x46: {  	_ =	shalt  }
0x47: {  	_ =	shalt  }
0x48: {  	_ =	shalt  }
0x49: {  	_ =	shalt  }
0x4a: {  	_ =	shalt  }
0x4b: {  	_ =	shalt  }
0x4c: {  	_ =	shalt  }
0x4d: {  	_ =	shalt  }
0x4e: {  	_ =	shalt  }
0x4f: {  	_ =	shalt  }
0x50: {  	_ =	shalt  }
0x51: {  	_ =	shalt  }
0x52: {  	_ =	shalt  }
0x53: {  	_ =	shalt  }
0x54: {  	_ =	shalt  }
0x55: {  	_ =	shalt  }
0x56: {  	_ =	shalt  }
0x57: {  	_ =	shalt  }
0x58: {  	_ =	shalt  }
0x59: {  	_ =	shalt  }
0x5a: {  	_ =	shalt  }
0x5b: {  	_ =	shalt  }
0x5c: {  	_ =	shalt  }
0x5d: {  	_ =	shalt  }
0x5e: {  	_ =	shalt  }
0x5f: {  	_ =	shalt  }
0x60: {  	_ =	shalt  }
0x61: {  	_ =	shalt  }
0x62: {  	_ =	shalt  }
0x63: {  	_ =	shalt  }
0x64: {  	_ =	shalt  }
0x65: {  	_ =	shalt  }
0x66: {  	_ =	shalt  }
0x67: {  	_ =	shalt  }
0x68: {  	_ =	shalt  }
0x69: {  	_ =	shalt  }
0x6a: {  	_ =	shalt  }
0x6b: {  	_ =	shalt  }
0x6c: {  	_ =	shalt  }
0x6d: {  	_ =	shalt  }
0x6e: {  	_ =	shalt  }
0x6f: {  	_ =	shalt  }
0x70: {  	_ =	shalt  }
0x71: {  	_ =	shalt  }
0x72: {  	_ =	shalt  }
0x73: {  	_ =	shalt  }
0x74: {  	_ =	shalt  }
0x75: {  	_ =	shalt  }
0x76: {  	_ =	shalt  }
0x77: {  	_ =	shalt  }
0x78: {  	_ =	shalt  }
0x79: {  	_ =	shalt  }
0x7a: {  	_ =	shalt  }
0x7b: {  	_ =	shalt  }
0x7c: {  	_ =	shalt  }
0x7d: {  	_ =	shalt  }
0x7e: {  	_ =	shalt  }
0x7f: {  	_ =	shalt  }
0x80: {  	_ =	shalt  }
0x81: {  	_ =	shalt  }
0x82: {  	_ =	shalt  }
0x83: {  	_ =	shalt  }
0x84: {  	_ =	shalt  }
0x85: {  	_ =	shalt  }
0x86: {  	_ =	shalt  }
0x87: {  	_ =	shalt  }
.Lfunc_end0:
.L_simem_size_0:
called_computation.2_lowered:
.L_overlay_start_0:
0x88: {  	s2 =	sld [smem:$0x3FD9]  }
0x89: {  	s3 =	sld [smem:$0x3FFE];
	_ =	sdelay $0x1  }
0x8a: {  	s1 =	srdreg.scid  }
0x8b: {  	s0 =	sand.u32 $0x1, s1  }
0x8c: {  	s16 =	sshll.u32 s0, $0xA;
	s2 =	sadd.s32 s3, s2  }
0x8d: {  	s2 =	sadd.s32 s2, s16  }
0x8e: {  	[smem:$0x3FC6] =	sst s2  }
0x8f: {  	_ = 	snop  }
0x90: {  	(tm) =	ssettm $0x1  }
0x91: {  	s17 =	sld [smem:$0x3FFB];
	_ =	sdelay $0x3  }
0x92: {  	_ =	strace s17  }
0x93: {  	s2 =	sld [smem:$0x3FFC];
	_ =	sdelay $0x3  }
0x94: {  	_ =	strace s2  }
0x95: {  	s2 =	sld [smem:$0x3FFD];
	_ =	sdelay $0x3  }
0x96: {  	_ =	strace s2  }
0x97: {  	_ =	strace $0x8FFFFFFF  }
0x98: {  	s18 =	sld [smem:$0x3FDB];
	_ =	sdelay $0x1  }
0x99: {  	s19 =	simm.s32 $_scs_section_size  }
0x9a: {  	s4 =	simm.s32 $_size__tile_overlayer_lowered;
	s5 =	simm.s32 $_tile_overlayer_lowered  }
0x9b: {  	s22 =	simm.s32 $0x1BFF;
	s21 =	sshll.u32 s5, $0x1;
	s2 =	sadd.s32 s19, s18  }
0x9c: {  	s6 =	simm.s32 $0x0;
	s20 =	sshll.u32 s4, $0x1;
	s4 =	sadd.s32 s21, s2  }
0x9d: {  	[timem:s6], [sflag:s22] =	dma.local [hbm:s4], s20  }
0x9e: {  	_ =	swait.ge [sflag:s22], s20  }
0x9f: {  	s3 =	ssub.s32 $0x0, s20;
	[sflag:s22] =	ssyncset.done $0x0  }
0xa0: {  	[sflag:s22] =	ssyncadd.s32 s3;
	_ =	sdelay $0x1  }
0xa1: {  	s23 =	simm.s32 $0x1B8B  }
0xa2: {  	_ =	swait.ge [sflag:s23], $0x1  }
0xa3: {  	[sflag:s23] =	ssyncset.done $0x0  }
0xa4: {  	s25 =	simm.s32 $0x1B8E;
	s24 =	sld [smem:$0x3FFE];
	[sflag:s23] =	ssyncadd.s32 $0xFFFFFFFF  }
0xa5: {  	s26 =	simm.s32 $execute0_lowered;
	[smem:$0x3FD2] =	sst s25  }
0xa6: {  	s4 =	sshll.u32 s26, $0x1;
	_ =	strace $0x8000004C;
	[dreg:$0x1] =	wrdreg $0xFFFFFFFF  }
0xa7: {  	s28 =	simm.s32 $_size_execute0_lowered;
	s2 =	sadd.s32 s2, s4;
	[dreg:$0x0] =	wrdreg $0x0  }
0xa8: {  	s4 =	sshll.u32 s28, $0x1;
	[dreg:$0x2] =	wrdreg s2  }
0xa9: {  	[dreg:$0x3] =	wrdreg s4  }
0xaa: {  	[dreg:$0x4] =	wrdreg $0xC0  }
0xab: {  	_ =	task [dreg:s6], $0x5FFFF  }
0xac: {  	[dreg:$0x1] =	wrdreg $0xFFFFFFFF  }
0xad: {  	[dreg:$0x0] =	wrdreg $0x60  }
0xae: {  	[dreg:$0x2] =	wrdreg s24  }
0xaf: {  	[dreg:$0x3] =	wrdreg $0x9  }
0xb0: {  	_ =	task.clear_ibuf [dreg:s6], $0x4FFFF;
	_ =	strace $0x9000004C  }
0xb1: {  	s29 =	simm.s32 $0x9;
	_ =	strace $0x8000004E  }
0xb2: {  	_ =	swait.ge [sflag:s29], $0x1  }
0xb3: {  	[sflag:s29] =	ssyncadd.s32 $0xFFFFFFFF  }
0xb4: {  	_ =	strace $0x9000004E  }
0xb5: {  	_ =	sfence  }
0xb6: {  	s30 =	sld [smem:$0x0];
	_ =	sdelay $0x2  }
0xb7: {  	s31 =	sshll.u32 s1, $0xD;
	s1 =	sshrl.u32 s1, $0x2  }
0xb8: {  	s3 =	sand.u32 $0x4000, s31;
	s1 =	sadd.s32 s1, s30  }
0xb9: {  	s0 =	sor.u32 s3, s0;
	s1 =	sshll.u32 s1, $0x11  }
0xba: {  	s0 =	sor.u32 s1, s0  }
0xbb: {  	s0 =	sadd.s32 $0x8F2B, s0  }
0xbc: {  	[sflag:s0] =	ssyncadd.remote.s32 $0x1  }
0xbd: {  	_ =	sfence.sel $0xFFFF  }
0xbe: {  	[dreg:$0x0] =	wrdreg $0xFFFFFFFF;
	(pc) =	sbr.abs _section_cstart, $3  }
0xbf: {  	[dreg:$0x1] =	wrdreg $0xFFFFFFFF  }
0xc0: {  	_ =	task.clear_ibuf [dreg:s6], $0x2FFFF;
	_ =	strace $0x9FFFFFFF  }
0xc1: {  	(tm) =	ssettm $0x7FFFFFFF  }
tec
execute0_lowered:
.L_overlay_start_1:
0x0: {  	(tag) =	ssettag $0x1  }
0x1: {  	s6 =	rddreg [dreg:$0x0]  }
0x2: {  	s0 =	rddreg [dreg:$0x1];
	s1 =	simm.s32 $0x0  }
0x3: {  	s2 =	srdreg.scid;
	s9 =	simm.s32 $0x4000;
	s10 =	simm.s32 $0x0  }
0x4: {  	[smem:$0x7FF] =	sst s1;
	s5 =	sand.u32 $0x1, s2;
	s3 =	sadd.s32 $0xC00, s6  }
0x5: {  	s4 =	sadd.s32 $0x500C00, s6;
	s2 =	stileid.u32;
	s7 =	ssub.s32 $0x2, s5  }
0x6: {  	s6 =	sadd.s32 $0x400C00, s6;
	_ =	strace $0x8000004D;
	s8 =	sshrl.u32 s7, $0x1  }
0x7: {  	s31 =	sshll.u32 s2, $0x10;
	s5 =	sshll.u32 s5, $0xF;
	s7 =	ssub.s32 s7, s8  }
0x8: {  	s5 =	sor.u32 s5, s31;
	s8 =	simm.s32 $0x1;
	s7 =	smax.u32 s7, $0x1  }
.LBB2_1:
0x9: {  	s11 =	simm.s32 $0x0  }
.LBB2_2:
0xa: {  	s12 =	sshll.u32 s11, $0xB  }
0xb: {  	s12 =	sadd.s32 s5, s12  }
0xc: {  	s14 =	simm.s32 $0x0;
	s13 =	sadd.s32 s3, s12  }
0xd: {  	[tilespmem:s14], [sflag:$0x1] =	stream.linear.gather [hbm4b:s13+s14], $0x4000, $0x38;
	[tilespmem:$0x8000] =	vst v63  }
0xe: {  	_ =	swait.ge [sflag:s8], $0x4000  }
0xf: {  	[sflag:s8] =	ssyncset.done $0x0  }
0x10: {  	s31 =	sadd.s32 s12, s6;
	[sflag:s8] =	ssyncadd.s32 $0xFFFFC000  }
0x11: {  	[tilespmem:s9], [sflag:$0x1] =	stream.linear.gather [hbm4b:s31+s14], $0x4000, $0x38;
	[tilespmem:$0x8000] =	vst v63  }
0x12: {  	_ =	swait.ge [sflag:s8], $0x4000  }
0x13: {  	[sflag:s8] =	ssyncset.done $0x0  }
0x14: {  	s13 =	simm.s32 $0x0;
	[sflag:s8] =	ssyncadd.s32 $0xFFFFC000  }
0x15: {  	v5 =	vld [tilespmem:s13+$0x0]  }
0x16: {  	v6 =	vld [tilespmem:s13+$0x10]  }
0x17: {  	v1 =	vld [tilespmem:s13+$0x20]  }
0x18: {  	v0 =	vld [tilespmem:s13+$0x30]  }
0x19: {  	v2 =	vld [tilespmem:s13+$0x4000]  }
0x1a: {  	v4 =	vld [tilespmem:s13+$0x4010]  }
0x1b: {  	s14 =	simm.s32 $0x100;
	v3 =	vld [tilespmem:s13+$0x4020]  }
.LBB2_3:
0x1c: {  	s15 =	sshra.s32 s14, $0x2;
	p0 =	sne.s32 s14, $0xFF00;
	v7 =	vld [tilespmem:s13+$0x4030];
	v8 =	vmov v1  }
0x1d: {  	v9 =	vld [tilespmem:s15+$0x0];
	v10 =	vmov v0  }
0x1e: {  	v11 =	vld [tilespmem:s15+$0x10];
	v2 =	vadd.f32 v5, v2  }
.Ltmp0:
0x1f: {  	v1 =	vld [tilespmem:s15+$0x20];
	v4 =	vadd.f32 v6, v4;
	(pc) =	sbr.rel @p0 .LBB2_3-.Ltmp0, $4  }
0x20: {  	v0 =	vld [tilespmem:s15+$0x30];
	[tilespmem:s13+$0x4000] =	vst v2;
	v3 =	vadd.f32 v8, v3  }
0x21: {  	v2 =	vld [tilespmem:s15+$0x4000];
	[tilespmem:s13+$0x4010] =	vst v4;
	v7 =	vadd.f32 v10, v7  }
0x22: {  	v4 =	vld [tilespmem:s15+$0x4010];
	[tilespmem:s13+$0x4020] =	vst v3;
	v5 =	vmov v9  }
0x23: {  	s14 =	sadd.s32 $0x100, s14;
	v3 =	vld [tilespmem:s15+$0x4020];
	[tilespmem:s13+$0x4030] =	vst v7;
	v6 =	vmov v11;
	s13 =	smov.u32 s15  }
0x24: {  	v7 =	vld [tilespmem:s13+$0x4030];
	_ =	sdelay $0x1  }
0x25: {  	v2 =	vadd.f32 v5, v2  }
0x26: {  	v4 =	vadd.f32 v6, v4  }
0x27: {  	[tilespmem:s13+$0x4000] =	vst v2;
	v1 =	vadd.f32 v1, v3  }
0x28: {  	s11 =	sadd.s32 $0x1, s11;
	[tilespmem:s13+$0x4010] =	vst v4;
	v0 =	vadd.f32 v0, v7  }
0x29: {  	p0 =	sne.s32 s11, $0x10;
	[tilespmem:s13+$0x4020] =	vst v1  }
.Ltmp1:
0x2a: {  	s12 =	sadd.s32 s4, s12;
	[tilespmem:s13+$0x4030] =	vst v0;
	(pc) =	sbr.rel @p0 .LBB2_2-.Ltmp1, $4  }
0x2b: {  	[hbm4b:s12+s1] =	stream.linear.scatter [tilespmem:s9], [sflag:$0x1], $0x4000, $0x38;
	[tilespmem:$0x8000] =	vst v63  }
0x2c: {  	_ =	swait.ge [sflag:s8], $0x4000  }
0x2d: {  	[sflag:s8] =	ssyncset.done $0x0  }
0x2e: {  	[sflag:s8] =	ssyncadd.s32 $0xFFFFC000  }
0x2f: {  	s10 =	sadd.s32 $0x1, s10  }
0x30: {  	p0 =	sne.s32 s10, s7  }
.Ltmp2:
0x31: {  	_ = 	snop;
	(pc) =	sbr.rel @p0 .LBB2_1-.Ltmp2, $1  }
0x32: {  	_ =	sdelay $0x3  }
0x33: {  	_ =	sfence.sel $0x180000  }
0x34: {  	[bflag:$0x0] =	sbarrier.arrive $0xFFFF  }
0x35: {  	p0 =	sne.s32 s2, $0x0;
	_ =	strace $0x9000004D  }
0x36: {  	s0 =	sadd.s32 @!p0 $0x100000, s0;
	[bflag:$0x2] =	sbarrier.arrive $0xFFFF  }
0x37: {  	[sflag:s0] =	ssyncadd.tile.s32 @!p0 $0x1;
	_ =	shalt  }
.Lfunc_end2:
_tile_overlayer_lowered:
.L_overlay_start_2:
0x38: {  	(tag) =	ssettag $0x2  }
0x39: {  	s0 =	rddreg [dreg:$0x0];
	s2 =	stileid.u32  }
0x3a: {  	s1 =	rddreg [dreg:$0x1];
	p0 =	sne.s32 s2, $0x0  }
0x3b: {  	s3 =	rddreg [dreg:$0x2];
	[bflag:$0x3] =	sbarrier.arrive $0xFFFF;
	s2 =	simm.s32 @!p0 $0x1C01  }
0x3c: {  	[timem:s3], [sflag:s2] =	dma.local @!p0 [hbm:s0], s1  }
0x3d: {  	s0 =	simm.s32 @!p0 $0x1  }
0x3e: {  	_ =	swait.ge @!p0 [sflag:s0], s1  }
0x3f: {  	s1 =	ssub.s32 @!p0 $0x0, s1;
	[sflag:s0] =	ssyncset.done @!p0 $0x0  }
0x40: {  	[sflag:s0] =	ssyncadd.s32 @!p0 s1  }
0x41: {  	[bflag:$0x3] =	sbarrier.arrive $0xFFFF  }
0x42: {  	_ =	shalt  }

// kernel: sparse-core-data-format-call.1.cloned.1.call-start
scs
called_computation.1_lowered:
.L_overlay_start_0:
0x0: {  	s2 =	sld [smem:$0x3FD9]  }
0x1: {  	s3 =	sld [smem:$0x3FFE];
	_ =	sdelay $0x1  }
0x2: {  	s1 =	srdreg.scid  }
0x3: {  	s0 =	sand.u32 $0x1, s1  }
0x4: {  	s18 =	sshll.u32 s0, $0xA;
	s2 =	sadd.s32 s3, s2  }
0x5: {  	s2 =	sadd.s32 s2, s18  }
0x6: {  	[smem:$0x3FC6] =	sst s2  }
0x7: {  	_ = 	snop  }
0x8: {  	s19 =	sld [smem:$0x3FC9];
	(tm) =	ssettm $0x1  }
0x9: {  	s20 =	sld [smem:$0x3FFB];
	_ =	sdelay $0x3  }
0xa: {  	_ =	strace s20  }
0xb: {  	s2 =	sld [smem:$0x3FFC];
	_ =	sdelay $0x3  }
0xc: {  	_ =	strace s2  }
0xd: {  	s2 =	sld [smem:$0x3FFD];
	_ =	sdelay $0x3  }
0xe: {  	_ =	strace s2  }
0xf: {  	_ =	strace $0x8FFFFFFF  }
0x10: {  	s21 =	sld [smem:$0x3FDB];
	_ =	sdelay $0x1  }
0x11: {  	s4 =	simm.s32 $_scs_section_size  }
0x12: {  	s5 =	simm.s32 $_size__tile_overlayer_lowered;
	s6 =	simm.s32 $_tile_overlayer_lowered  }
0x13: {  	s7 =	simm.s32 $0x1BFF;
	s22 =	sshll.u32 s6, $0x1;
	s4 =	sadd.s32 s4, s21  }
0x14: {  	s23 =	simm.s32 $0x0;
	s5 =	sshll.u32 s5, $0x1;
	s6 =	sadd.s32 s22, s4  }
0x15: {  	[timem:s23], [sflag:s7] =	dma.local [hbm:s6], s5  }
0x16: {  	_ =	swait.ge [sflag:s7], s5  }
0x17: {  	s5 =	ssub.s32 $0x0, s5;
	[sflag:s7] =	ssyncset.done $0x0  }
0x18: {  	[sflag:s7] =	ssyncadd.s32 s5;
	_ =	sdelay $0x1  }
0x19: {  	s24 =	simm.s32 $0x1B8B  }
0x1a: {  	_ =	swait.ge [sflag:s24], $0x1  }
0x1b: {  	[sflag:s24] =	ssyncset.done $0x0  }
0x1c: {  	[sflag:s24] =	ssyncadd.s32 $0xFFFFFFFF  }
0x1d: {  	s5 =	sld [smem:$0x0]  }
0x1e: {  	s6 =	sand.u32 $0xFFFFFFFE, s1  }
0x1f: {  	p0 =	sne.s32 s1, s6  }
0x20: {  	s6 =	sshll.u32 @p0 s6, $0xE  }
0x21: {  	s6 =	sadd.s32 @p0 $0x11B8D, s6;
	s7 =	sshll.u32 @p0 s5, $0x11  }
0x22: {  	s6 =	sor.u32 @p0 s7, s6  }
0x23: {  	[sflag:s6] =	ssyncadd.remote.s32 @p0 $0x1;
	_ =	sdelay $0x1  }
0x24: {  	s6 =	simm.s32 @p0 $0x1B8D  }
0x25: {  	_ =	swait.eq @p0 [sflag:s6], $0x1  }
0x26: {  	[sflag:s6] =	ssyncadd.s32 @p0 $0xFFFFFFFF  }
0x27: {  	s7 =	sshll.u32 @!p0 s1, $0xE  }
0x28: {  	s7 =	sor.u32 @!p0 $0x4000, s7;
	s6 =	simm.s32 @!p0 $0x1B8D  }
0x29: {  	s5 =	sshll.u32 @!p0 s5, $0x11;
	s7 =	sadd.s32 @!p0 $0x11B8D, s7;
	_ =	swait.eq @!p0 [sflag:s6], $0x1  }
0x2a: {  	s5 =	sor.u32 @!p0 s5, s7;
	[sflag:s6] =	ssyncadd.s32 @!p0 $0xFFFFFFFF  }
0x2b: {  	s26 =	simm.s32 $0x1B8E;
	s25 =	sld [smem:$0x3FFE];
	[sflag:s5] =	ssyncadd.remote.s32 @!p0 $0x1  }
0x2c: {  	s27 =	simm.s32 $execute0_lowered;
	[smem:$0x3FD2] =	sst s26  }
0x2d: {  	s6 =	sshll.u32 s27, $0x1;
	_ =	strace $0x80000049;
	[dreg:$0x1] =	wrdreg $0xFFFFFFFF  }
0x2e: {  	s28 =	simm.s32 $_size_execute0_lowered;
	s4 =	sadd.s32 s4, s6;
	[dreg:$0x0] =	wrdreg $0x0  }
0x2f: {  	s6 =	sshll.u32 s28, $0x1;
	[dreg:$0x2] =	wrdreg s4  }
0x30: {  	[dreg:$0x3] =	wrdreg s6  }
0x31: {  	[dreg:$0x4] =	wrdreg $0xC0  }
0x32: {  	_ =	task [dreg:s23], $0x5FFFF  }
0x33: {  	[dreg:$0x1] =	wrdreg $0xFFFFFFFF  }
0x34: {  	[dreg:$0x0] =	wrdreg $0x60  }
0x35: {  	[dreg:$0x2] =	wrdreg s19  }
0x36: {  	[dreg:$0x3] =	wrdreg s25  }
0x37: {  	[dreg:$0x4] =	wrdreg $0xA  }
0x38: {  	_ =	task.clear_ibuf [dreg:s23], $0x5FFFF;
	_ =	strace $0x90000049  }
0x39: {  	s29 =	simm.s32 $0xA;
	_ =	strace $0x8000004B  }
0x3a: {  	_ =	swait.ge [sflag:s29], $0x1  }
0x3b: {  	[sflag:s29] =	ssyncadd.s32 $0xFFFFFFFF  }
0x3c: {  	_ =	strace $0x9000004B  }
0x3d: {  	_ =	sfence  }
0x3e: {  	s30 =	sld [smem:$0x0];
	_ =	sdelay $0x2  }
0x3f: {  	s31 =	sshll.u32 s1, $0xD;
	s1 =	sshrl.u32 s1, $0x2  }
0x40: {  	s4 =	sand.u32 $0x4000, s31;
	s1 =	sadd.s32 s1, s30  }
0x41: {  	s0 =	sor.u32 s4, s0;
	s1 =	sshll.u32 s1, $0x11  }
0x42: {  	s0 =	sor.u32 s1, s0  }
0x43: {  	s0 =	sadd.s32 $0x8F2B, s0  }
0x44: {  	[sflag:s0] =	ssyncadd.remote.s32 $0x1  }
0x45: {  	_ =	sfence.sel $0xFFFF  }
0x46: {  	[dreg:$0x0] =	wrdreg $0xFFFFFFFF;
	(pc) =	sbr.abs _section_cstart, $3  }
0x47: {  	[dreg:$0x1] =	wrdreg $0xFFFFFFFF  }
0x48: {  	_ =	task.clear_ibuf [dreg:s23], $0x2FFFF;
	_ =	strace $0x9FFFFFFF  }
0x49: {  	(tm) =	ssettm $0x7FFFFFFF  }
tec
execute0_lowered:
.L_overlay_start_1:
0x0: {  	(tag) =	ssettag $0x1  }
0x1: {  	s0 =	srdreg.scid  }
0x2: {  	s1 =	sshll.u32 s0, $0x4  }
0x3: {  	s2 =	rddreg [dreg:$0x0];
	s0 =	stileid.u32;
	s1 =	sand.u32 $0x10, s1  }
0x4: {  	s4 =	rddreg [dreg:$0x1];
	s7 =	simm.s32 $0x1;
	s1 =	sor.u32 s0, s1  }
0x5: {  	s8 =	simm.s32 $0x2;
	s9 =	simm.s32 $0x0;
	s3 =	sshll.u32 s1, $0x1  }
0x6: {  	s12 =	simm.s32 $0x0;
	s11 =	simm.s32 $0x0;
	s6 =	ssub.s32 $0x1000, s3  }
.Ltmp0:
0x7: {  	s4 =	sadd.s32 $0x100C00, s4;
	s5 =	sand.u32 $0x3E, s6;
	(pc) =	sbr.rel .LBB1_1-.Ltmp0, $4  }
0x8: {  	s1 =	rddreg [dreg:$0x2];
	_ =	strace $0x8000004A;
	p0 =	sne.s32 s5, $0x0  }
0x9: {  	s6 =	sshrl.u32 s6, $0x6;
	s5 =	simm.s32 $0x1;
	s7 =	simm.s32 @!p0 $0x0  }
0xa: {  	s10 =	smov.u32 s3;
	[sflag:s5] =	ssyncpa.u1 $0x0;
	s6 =	sadd.s32 s7, s6  }
0xb: {  	[sflag:s8] =	ssyncpa.u1 $0x0;
	s8 =	simm.s32 $0x0;
	s7 =	sadd.s32 $0x1, s6  }
.LBB1_9:
0xc: {  	s14 =	sadd.s32 $0x40, s10  }
0xd: {  	p1 =	sgt.s32 s14, $0xFFF  }
0xe: {  	s14 =	smov.u32 @p1 s3;
	p1 =	sne.s32 s11, s7  }
.Ltmp1:
0xf: {  	p0 =	slt.u32 s11, $0x2;
	(pc) =	sbr.rel @!p1 .LBB1_10-.Ltmp1, $4  }
0x10: {  	s13 =	simm.s32 @!p0 $0x2  }
0x11: {  	s15 =	sadd.s32 $0x1, s11;
	_ =	swait.ge @!p0 [sflag:s13], $0x4000  }
0x12: {  	s12 =	smov.u32 s10;
	s9 =	sadd.s32 $0x4000, s9;
	[sflag:s13] =	ssyncset.done @!p0 $0x0  }
0x13: {  	s11 =	smov.u32 s15;
	s10 =	smov.u32 s14;
	[sflag:s13] =	ssyncadd.s32 @!p0 $0xFFFFC000  }
.LBB1_1:
0x14: {  	p0 =	sge.u32 s11, s6  }
0x15: {  	s13 =	sxor.u32 @!p0 $0xFFFFFFFF, s11  }
0x16: {  	s31 =	sadd.s32 $0xFFFFFFFF, s11;
	s14 =	sshll.u32 @!p0 s10, $0xA;
	s13 =	sshll.u32 @!p0 s13, $0xE  }
0x17: {  	s15 =	simm.s32 @!p0 $0x0;
	s14 =	sadd.s32 @!p0 s2, s14;
	s13 =	sand.u32 @!p0 $0x4000, s13  }
0x18: {  	[tilespmem:s13], [sflag:$0x1] =	stream.linear.gather @!p0 [hbm4b:s14+s15], $0x4000, $0x38;
	[tilespmem:$0x10000] =	vst v63  }
0x19: {  	p0 =	sge.u32 s31, s6  }
.Ltmp2:
0x1a: {  	_ = 	snop;
	(pc) =	sbr.rel @p0 .LBB1_9-.Ltmp2, $1  }
0x1b: {  	_ =	sdelay $0x3  }
0x1c: {  	s13 =	sshll.u32 s9, $0x2  }
0x1d: {  	_ =	swait.ge [sflag:s5], $0x4000;
	s14 =	sshll.u32 s11, $0xE;
	s16 =	simm.s32 $0x0  }
0x1e: {  	p1 =	por $0x1, $0x1;
	s13 =	sand.u32 $0x10000, s13;
	[sflag:s5] =	ssyncset.done $0x0  }
0x1f: {  	s14 =	sand.u32 $0x4000, s14;
	s15 =	sshrl.u32 s13, $0x2;
	[sflag:s5] =	ssyncadd.s32 $0xFFFFC000  }
0x20: {  	s13 =	sor.u32 $0x8000, s14;
	s14 =	sadd.s32 $0x8040, s15;
	s15 =	sadd.s32 $0x40, s15  }
.LBB1_3:
0x21: {  	s16 =	sshll.u32 s16, $0x2  }
0x22: {  	p0 =	por p1, p1;
	s17 =	sshra.s32 s16, $0x2  }
0x23: {  	s18 =	simm.s32 $0x0;
	s16 =	sadd.s32 s17, s14;
	s17 =	sadd.s32 s17, s15  }
.LBB1_4:
0x24: {  	v0 =	vmov s17;
	_ =	sdelay $0x3  }
0x25: {  	s20 =	simm.s32 $0x0  }
0x26: {  	v6 =	vld.idx.msk [tilespmem:v0+s20+$0x30 ss:$0x1], $0xffff  }
0x27: {  	v7 =	vld.idx.msk [tilespmem:v0+s20+$0xFFFFFFC0 ss:$0x1], $0xffff  }
0x28: {  	v5 =	vld.idx.msk [tilespmem:v0+s20+$0xFFFFFFD0 ss:$0x1], $0xffff  }
0x29: {  	v4 =	vld.idx.msk [tilespmem:v0+s20+$0xFFFFFFE0 ss:$0x1], $0xffff  }
0x2a: {  	v3 =	vld.idx.msk [tilespmem:v0+s20+$0xFFFFFFF0 ss:$0x1], $0xffff  }
0x2b: {  	v1 =	vld.idx.msk [tilespmem:v0+s20+$0x0 ss:$0x1], $0xffff  }
0x2c: {  	v2 =	vld.idx.msk [tilespmem:v0+s20+$0x10 ss:$0x1], $0xffff;
	[tilespmem:s16+$0x30] =	vst v6  }
0x2d: {  	s19 =	simm.s32 $0x80;
	s21 =	simm.s32 $0x400;
	[tilespmem:s16+$0xFFFFFFC0] =	vst v7;
	v6 =	vld.idx.msk [tilespmem:v0+s20+$0x20 ss:$0x1], $0xffff;
	s20 =	smov.u32 s16  }
.LBB1_5:
0x2e: {  	p1 =	sne.s32 s21, $0xE00;
	v7 =	vld.idx.msk [tilespmem:v0+s19+$0x30 ss:$0x1], $0xffff;
	[tilespmem:s20+$0xFFFFFFD0] =	vst v5  }
0x2f: {  	v8 =	vld.idx.msk [tilespmem:v0+s19+$0xFFFFFFC0 ss:$0x1], $0xffff;
	[tilespmem:s20+$0xFFFFFFE0] =	vst v4  }
0x30: {  	v5 =	vld.idx.msk [tilespmem:v0+s19+$0xFFFFFFD0 ss:$0x1], $0xffff;
	[tilespmem:s20+$0xFFFFFFF0] =	vst v3  }
.Ltmp3:
0x31: {  	v4 =	vld.idx.msk [tilespmem:v0+s19+$0xFFFFFFE0 ss:$0x1], $0xffff;
	[tilespmem:s20+$0x0] =	vst v1;
	(pc) =	sbr.rel @p1 .LBB1_5-.Ltmp3, $4  }
0x32: {  	v3 =	vld.idx.msk [tilespmem:v0+s19+$0xFFFFFFF0 ss:$0x1], $0xffff;
	[tilespmem:s20+$0x10] =	vst v2  }
0x33: {  	v1 =	vld.idx.msk [tilespmem:v0+s19+$0x0 ss:$0x1], $0xffff;
	[tilespmem:s20+$0x20] =	vst v6;
	s20 =	sadd.s32 $0x400, s20  }
0x34: {  	v2 =	vld.idx.msk [tilespmem:v0+s19+$0x10 ss:$0x1], $0xffff;
	[tilespmem:s20+$0x30] =	vst v7  }
0x35: {  	[tilespmem:s20+$0xFFFFFFC0] =	vst v8;
	v6 =	vld.idx.msk [tilespmem:v0+s19+$0x20 ss:$0x1], $0xffff;
	s19 =	sshra.s32 s21, $0x2;
	s21 =	sadd.s32 $0x200, s21  }
0x36: {  	_ =	sdelay $0x2  }
0x37: {  	[tilespmem:s20+$0xFFFFFFD0] =	vst v5  }
0x38: {  	v56 =	vld.idx.msk [tilespmem:v0+s19+$0x30 ss:$0x1], $0xffff;
	[tilespmem:s20+$0xFFFFFFE0] =	vst v4  }
0x39: {  	v57 =	vld.idx.msk [tilespmem:v0+s19+$0xFFFFFFC0 ss:$0x1], $0xffff;
	[tilespmem:s20+$0xFFFFFFF0] =	vst v3  }
0x3a: {  	v58 =	vld.idx.msk [tilespmem:v0+s19+$0xFFFFFFD0 ss:$0x1], $0xffff;
	[tilespmem:s20+$0x0] =	vst v1  }
0x3b: {  	v59 =	vld.idx.msk [tilespmem:v0+s19+$0xFFFFFFE0 ss:$0x1], $0xffff;
	[tilespmem:s20+$0x10] =	vst v2  }
0x3c: {  	v60 =	vld.idx.msk [tilespmem:v0+s19+$0xFFFFFFF0 ss:$0x1], $0xffff;
	s31 =	sadd.s32 $0x400, s20;
	[tilespmem:s20+$0x20] =	vst v6  }
0x3d: {  	v61 =	vld.idx.msk [tilespmem:v0+s19+$0x0 ss:$0x1], $0xffff;
	[tilespmem:s31+$0x30] =	vst v56  }
0x3e: {  	v62 =	vld.idx.msk [tilespmem:v0+s19+$0x10 ss:$0x1], $0xffff;
	s18 =	sadd.s32 $0x1, s18;
	[tilespmem:s31+$0xFFFFFFC0] =	vst v57  }
0x3f: {  	v63 =	vld.idx.msk [tilespmem:v0+s19+$0x20 ss:$0x1], $0xffff;
	p1 =	sne.s32 s18, $0x8;
	[tilespmem:s31+$0xFFFFFFD0] =	vst v58  }
.Ltmp4:
0x40: {  	[tilespmem:s31+$0xFFFFFFE0] =	vst v59;
	(pc) =	sbr.rel @p1 .LBB1_4-.Ltmp4, $4  }
0x41: {  	[tilespmem:s31+$0xFFFFFFF0] =	vst v60  }
0x42: {  	[tilespmem:s31+$0x0] =	vst v61  }
0x43: {  	[tilespmem:s31+$0x10] =	vst v62  }
0x44: {  	s16 =	sadd.s32 $0x80, s16;
	s17 =	sadd.s32 $0x400, s17;
	[tilespmem:s31+$0x20] =	vst v63  }
.Ltmp5:
0x45: {  	(pc) =	sbr.rel @p0 .LBB1_3-.Ltmp5, $2  }
0x46: {  	_ =	sdelay $0x2  }
0x47: {  	s16 =	simm.s32 $0x2000;
	p1 =	por $0x0, $0x0  }
.Ltmp6:
0x48: {  	(pc) =	sbr.rel .LBB1_9-.Ltmp6, $4  }
0x49: {  	_ = 	snop  }
0x4a: {  	s12 =	sshll.u32 s12, $0xA  }
0x4b: {  	s12 =	sadd.s32 s4, s12  }
0x4c: {  	[hbm4b:s12+s8] =	stream.linear.scatter [tilespmem:s13], [sflag:$0x2], $0x4000, $0x38;
	[tilespmem:$0x10000] =	vst v63  }
.LBB1_10:
0x4d: {  	_ =	sfence.sel $0x180000  }
0x4e: {  	s2 =	simm.s32 $0x1;
	[bflag:$0x0] =	sbarrier.arrive $0xFFFF  }
0x4f: {  	s31 =	simm.s32 $0x2;
	[sflag:s2] =	ssyncpa.u1 $0x1  }
0x50: {  	[sflag:s31] =	ssyncpa.u1 $0x1  }
0x51: {  	p0 =	sne.s32 s0, $0x0;
	_ =	strace $0x9000004A  }
0x52: {  	s0 =	sadd.s32 @!p0 $0x100000, s1;
	[bflag:$0x2] =	sbarrier.arrive $0xFFFF  }
0x53: {  	[sflag:s0] =	ssyncadd.tile.s32 @!p0 $0x1;
	_ =	shalt  }
.Lfunc_end1:
_tile_overlayer_lowered:
.L_overlay_start_2:
0x54: {  	(tag) =	ssettag $0x2  }
0x55: {  	s0 =	rddreg [dreg:$0x0];
	s2 =	stileid.u32  }
0x56: {  	s1 =	rddreg [dreg:$0x1];
	p0 =	sne.s32 s2, $0x0  }
0x57: {  	s3 =	rddreg [dreg:$0x2];
	[bflag:$0x3] =	sbarrier.arrive $0xFFFF;
	s2 =	simm.s32 @!p0 $0x1C01  }
0x58: {  	[timem:s3], [sflag:s2] =	dma.local @!p0 [hbm:s0], s1  }
0x59: {  	s0 =	simm.s32 @!p0 $0x1  }
0x5a: {  	_ =	swait.ge @!p0 [sflag:s0], s1  }
0x5b: {  	s1 =	ssub.s32 @!p0 $0x0, s1;
	[sflag:s0] =	ssyncset.done @!p0 $0x0  }
0x5c: {  	[sflag:s0] =	ssyncadd.s32 @!p0 s1  }
0x5d: {  	[bflag:$0x3] =	sbarrier.arrive $0xFFFF  }
0x5e: {  	_ =	shalt  }

// kernel: sparse-core-data-format-call.cloned.1.call-start
scs
called_computation_lowered:
.L_overlay_start_0:
0x0: {  	s2 =	sld [smem:$0x3FD9]  }
0x1: {  	s3 =	sld [smem:$0x3FFE];
	_ =	sdelay $0x1  }
0x2: {  	s1 =	srdreg.scid  }
0x3: {  	s0 =	sand.u32 $0x1, s1  }
0x4: {  	s18 =	sshll.u32 s0, $0xA;
	s2 =	sadd.s32 s3, s2  }
0x5: {  	s2 =	sadd.s32 s2, s18  }
0x6: {  	[smem:$0x3FC6] =	sst s2  }
0x7: {  	_ = 	snop  }
0x8: {  	s2 =	sld [smem:$0x3FC8];
	(tm) =	ssettm $0x1  }
0x9: {  	s19 =	sld [smem:$0x3FFB];
	_ =	sdelay $0x3  }
0xa: {  	_ =	strace s19  }
0xb: {  	s3 =	sld [smem:$0x3FFC];
	_ =	sdelay $0x3  }
0xc: {  	_ =	strace s3  }
0xd: {  	s3 =	sld [smem:$0x3FFD];
	_ =	sdelay $0x3  }
0xe: {  	_ =	strace s3  }
0xf: {  	_ =	strace $0x8FFFFFFF  }
0x10: {  	s20 =	sld [smem:$0x3FDB];
	_ =	sdelay $0x1  }
0x11: {  	s4 =	simm.s32 $_scs_section_size  }
0x12: {  	s5 =	simm.s32 $_size__tile_overlayer_lowered;
	s6 =	simm.s32 $_tile_overlayer_lowered  }
0x13: {  	s23 =	simm.s32 $0x1BFF;
	s22 =	sshll.u32 s6, $0x1;
	s3 =	sadd.s32 s4, s20  }
0x14: {  	s7 =	simm.s32 $0x0;
	s21 =	sshll.u32 s5, $0x1;
	s5 =	sadd.s32 s22, s3  }
0x15: {  	[timem:s7], [sflag:s23] =	dma.local [hbm:s5], s21  }
0x16: {  	_ =	swait.ge [sflag:s23], s21  }
0x17: {  	s4 =	ssub.s32 $0x0, s21;
	[sflag:s23] =	ssyncset.done $0x0  }
0x18: {  	[sflag:s23] =	ssyncadd.s32 s4;
	_ =	sdelay $0x1  }
0x19: {  	s24 =	simm.s32 $0x1B8B  }
0x1a: {  	_ =	swait.ge [sflag:s24], $0x1  }
0x1b: {  	[sflag:s24] =	ssyncset.done $0x0  }
0x1c: {  	s26 =	simm.s32 $0x1B8E;
	s25 =	sld [smem:$0x3FFE];
	[sflag:s24] =	ssyncadd.s32 $0xFFFFFFFF  }
0x1d: {  	s27 =	simm.s32 $execute0_lowered;
	[smem:$0x3FD2] =	sst s26  }
0x1e: {  	s5 =	sshll.u32 s27, $0x1;
	_ =	strace $0x80000046;
	[dreg:$0x1] =	wrdreg $0xFFFFFFFF  }
0x1f: {  	s28 =	simm.s32 $_size_execute0_lowered;
	s3 =	sadd.s32 s3, s5;
	[dreg:$0x0] =	wrdreg $0x0  }
0x20: {  	s5 =	sshll.u32 s28, $0x1;
	[dreg:$0x2] =	wrdreg s3  }
0x21: {  	[dreg:$0x3] =	wrdreg s5  }
0x22: {  	[dreg:$0x4] =	wrdreg $0xC0  }
0x23: {  	_ =	task [dreg:s7], $0x5FFFF  }
0x24: {  	[dreg:$0x1] =	wrdreg $0xFFFFFFFF  }
0x25: {  	[dreg:$0x0] =	wrdreg $0x60  }
0x26: {  	[dreg:$0x2] =	wrdreg s2  }
0x27: {  	[dreg:$0x3] =	wrdreg s25  }
0x28: {  	[dreg:$0x4] =	wrdreg $0x9  }
0x29: {  	_ =	task.clear_ibuf [dreg:s7], $0x5FFFF;
	_ =	strace $0x90000046  }
0x2a: {  	s29 =	simm.s32 $0x9;
	_ =	strace $0x80000048  }
0x2b: {  	_ =	swait.ge [sflag:s29], $0x1  }
0x2c: {  	[sflag:s29] =	ssyncadd.s32 $0xFFFFFFFF  }
0x2d: {  	_ =	strace $0x90000048  }
0x2e: {  	_ =	sfence  }
0x2f: {  	s30 =	sld [smem:$0x0];
	_ =	sdelay $0x2  }
0x30: {  	s31 =	sshll.u32 s1, $0xD;
	s1 =	sshrl.u32 s1, $0x2  }
0x31: {  	s3 =	sand.u32 $0x4000, s31;
	s1 =	sadd.s32 s1, s30  }
0x32: {  	s0 =	sor.u32 s3, s0;
	s1 =	sshll.u32 s1, $0x11  }
0x33: {  	s0 =	sor.u32 s1, s0  }
0x34: {  	s0 =	sadd.s32 $0x8F2B, s0  }
0x35: {  	[sflag:s0] =	ssyncadd.remote.s32 $0x1  }
0x36: {  	_ =	sfence.sel $0xFFFF  }
0x37: {  	[dreg:$0x0] =	wrdreg $0xFFFFFFFF;
	(pc) =	sbr.abs _section_cstart, $3  }
0x38: {  	[dreg:$0x1] =	wrdreg $0xFFFFFFFF  }
0x39: {  	_ =	task.clear_ibuf [dreg:s7], $0x2FFFF;
	_ =	strace $0x9FFFFFFF  }
0x3a: {  	(tm) =	ssettm $0x7FFFFFFF  }
0x3b: {  	_ =	shalt  }
tec
execute0_lowered:
.L_overlay_start_1:
0x0: {  	(tag) =	ssettag $0x1  }
0x1: {  	s0 =	srdreg.scid  }
0x2: {  	s1 =	sshll.u32 s0, $0x4  }
0x3: {  	s2 =	rddreg [dreg:$0x0];
	s0 =	stileid.u32;
	s1 =	sand.u32 $0x10, s1  }
0x4: {  	s4 =	rddreg [dreg:$0x1];
	s7 =	simm.s32 $0x1;
	s1 =	sor.u32 s0, s1  }
0x5: {  	s8 =	simm.s32 $0x2;
	s9 =	simm.s32 $0x0;
	s3 =	sshll.u32 s1, $0x1  }
0x6: {  	s12 =	simm.s32 $0x0;
	s11 =	simm.s32 $0x0;
	s6 =	ssub.s32 $0x400, s3  }
.Ltmp0:
0x7: {  	s4 =	sadd.s32 $0xC00, s4;
	s5 =	sand.u32 $0x3E, s6;
	(pc) =	sbr.rel .LBB1_1-.Ltmp0, $4  }
0x8: {  	s1 =	rddreg [dreg:$0x2];
	_ =	strace $0x80000047;
	p0 =	sne.s32 s5, $0x0  }
0x9: {  	s6 =	sshrl.u32 s6, $0x6;
	s5 =	simm.s32 $0x1;
	s7 =	simm.s32 @!p0 $0x0  }
0xa: {  	s10 =	smov.u32 s3;
	[sflag:s5] =	ssyncpa.u1 $0x0;
	s6 =	sadd.s32 s7, s6  }
0xb: {  	[sflag:s8] =	ssyncpa.u1 $0x0;
	s8 =	simm.s32 $0x0;
	s7 =	sadd.s32 $0x1, s6  }
.LBB1_9:
0xc: {  	s14 =	sadd.s32 $0x40, s10  }
0xd: {  	p1 =	sgt.s32 s14, $0x3FF  }
0xe: {  	s14 =	smov.u32 @p1 s3;
	p1 =	sne.s32 s11, s7  }
.Ltmp1:
0xf: {  	p0 =	slt.u32 s11, $0x2;
	(pc) =	sbr.rel @!p1 .LBB1_10-.Ltmp1, $4  }
0x10: {  	s13 =	simm.s32 @!p0 $0x2  }
0x11: {  	s15 =	sadd.s32 $0x1, s11;
	_ =	swait.ge @!p0 [sflag:s13], $0x4000  }
0x12: {  	s12 =	smov.u32 s10;
	s9 =	sadd.s32 $0x4000, s9;
	[sflag:s13] =	ssyncset.done @!p0 $0x0  }
0x13: {  	s11 =	smov.u32 s15;
	s10 =	smov.u32 s14;
	[sflag:s13] =	ssyncadd.s32 @!p0 $0xFFFFC000  }
.LBB1_1:
0x14: {  	p0 =	sge.u32 s11, s6  }
0x15: {  	s13 =	sxor.u32 @!p0 $0xFFFFFFFF, s11  }
0x16: {  	s31 =	sadd.s32 $0xFFFFFFFF, s11;
	s14 =	sshll.u32 @!p0 s10, $0xA;
	s13 =	sshll.u32 @!p0 s13, $0xE  }
0x17: {  	s15 =	simm.s32 @!p0 $0x0;
	s14 =	sadd.s32 @!p0 s2, s14;
	s13 =	sand.u32 @!p0 $0x4000, s13  }
0x18: {  	[tilespmem:s13], [sflag:$0x1] =	stream.linear.gather @!p0 [hbm4b:s14+s15], $0x4000, $0x38;
	[tilespmem:$0x10000] =	vst v63  }
0x19: {  	p0 =	sge.u32 s31, s6  }
.Ltmp2:
0x1a: {  	_ = 	snop;
	(pc) =	sbr.rel @p0 .LBB1_9-.Ltmp2, $1  }
0x1b: {  	_ =	sdelay $0x3  }
0x1c: {  	s13 =	sshll.u32 s9, $0x2  }
0x1d: {  	_ =	swait.ge [sflag:s5], $0x4000;
	s14 =	sshll.u32 s11, $0xE;
	s16 =	simm.s32 $0x0  }
0x1e: {  	p1 =	por $0x1, $0x1;
	s13 =	sand.u32 $0x10000, s13;
	[sflag:s5] =	ssyncset.done $0x0  }
0x1f: {  	s14 =	sand.u32 $0x4000, s14;
	s15 =	sshrl.u32 s13, $0x2;
	[sflag:s5] =	ssyncadd.s32 $0xFFFFC000  }
0x20: {  	s13 =	sor.u32 $0x8000, s14;
	s14 =	sadd.s32 $0x8040, s15;
	s15 =	sadd.s32 $0x40, s15  }
.LBB1_3:
0x21: {  	s16 =	sshll.u32 s16, $0x2  }
0x22: {  	p0 =	por p1, p1;
	s17 =	sshra.s32 s16, $0x2  }
0x23: {  	s18 =	simm.s32 $0x0;
	s16 =	sadd.s32 s17, s14;
	s17 =	sadd.s32 s17, s15  }
.LBB1_4:
0x24: {  	v0 =	vmov s17;
	_ =	sdelay $0x3  }
0x25: {  	s20 =	simm.s32 $0x0  }
0x26: {  	v6 =	vld.idx.msk [tilespmem:v0+s20+$0x30 ss:$0x1], $0xffff  }
0x27: {  	v7 =	vld.idx.msk [tilespmem:v0+s20+$0xFFFFFFC0 ss:$0x1], $0xffff  }
0x28: {  	v5 =	vld.idx.msk [tilespmem:v0+s20+$0xFFFFFFD0 ss:$0x1], $0xffff  }
0x29: {  	v4 =	vld.idx.msk [tilespmem:v0+s20+$0xFFFFFFE0 ss:$0x1], $0xffff  }
0x2a: {  	v3 =	vld.idx.msk [tilespmem:v0+s20+$0xFFFFFFF0 ss:$0x1], $0xffff  }
0x2b: {  	v1 =	vld.idx.msk [tilespmem:v0+s20+$0x0 ss:$0x1], $0xffff  }
0x2c: {  	v2 =	vld.idx.msk [tilespmem:v0+s20+$0x10 ss:$0x1], $0xffff;
	[tilespmem:s16+$0x30] =	vst v6  }
0x2d: {  	s19 =	simm.s32 $0x80;
	s21 =	simm.s32 $0x400;
	[tilespmem:s16+$0xFFFFFFC0] =	vst v7;
	v6 =	vld.idx.msk [tilespmem:v0+s20+$0x20 ss:$0x1], $0xffff;
	s20 =	smov.u32 s16  }
.LBB1_5:
0x2e: {  	p1 =	sne.s32 s21, $0xE00;
	v7 =	vld.idx.msk [tilespmem:v0+s19+$0x30 ss:$0x1], $0xffff;
	[tilespmem:s20+$0xFFFFFFD0] =	vst v5  }
0x2f: {  	v8 =	vld.idx.msk [tilespmem:v0+s19+$0xFFFFFFC0 ss:$0x1], $0xffff;
	[tilespmem:s20+$0xFFFFFFE0] =	vst v4  }
0x30: {  	v5 =	vld.idx.msk [tilespmem:v0+s19+$0xFFFFFFD0 ss:$0x1], $0xffff;
	[tilespmem:s20+$0xFFFFFFF0] =	vst v3  }
.Ltmp3:
0x31: {  	v4 =	vld.idx.msk [tilespmem:v0+s19+$0xFFFFFFE0 ss:$0x1], $0xffff;
	[tilespmem:s20+$0x0] =	vst v1;
	(pc) =	sbr.rel @p1 .LBB1_5-.Ltmp3, $4  }
0x32: {  	v3 =	vld.idx.msk [tilespmem:v0+s19+$0xFFFFFFF0 ss:$0x1], $0xffff;
	[tilespmem:s20+$0x10] =	vst v2  }
0x33: {  	v1 =	vld.idx.msk [tilespmem:v0+s19+$0x0 ss:$0x1], $0xffff;
	[tilespmem:s20+$0x20] =	vst v6;
	s20 =	sadd.s32 $0x400, s20  }
0x34: {  	v2 =	vld.idx.msk [tilespmem:v0+s19+$0x10 ss:$0x1], $0xffff;
	[tilespmem:s20+$0x30] =	vst v7  }
0x35: {  	[tilespmem:s20+$0xFFFFFFC0] =	vst v8;
	v6 =	vld.idx.msk [tilespmem:v0+s19+$0x20 ss:$0x1], $0xffff;
	s19 =	sshra.s32 s21, $0x2;
	s21 =	sadd.s32 $0x200, s21  }
0x36: {  	_ =	sdelay $0x2  }
0x37: {  	[tilespmem:s20+$0xFFFFFFD0] =	vst v5  }
0x38: {  	v56 =	vld.idx.msk [tilespmem:v0+s19+$0x30 ss:$0x1], $0xffff;
	[tilespmem:s20+$0xFFFFFFE0] =	vst v4  }
0x39: {  	v57 =	vld.idx.msk [tilespmem:v0+s19+$0xFFFFFFC0 ss:$0x1], $0xffff;
	[tilespmem:s20+$0xFFFFFFF0] =	vst v3  }
0x3a: {  	v58 =	vld.idx.msk [tilespmem:v0+s19+$0xFFFFFFD0 ss:$0x1], $0xffff;
	[tilespmem:s20+$0x0] =	vst v1  }
0x3b: {  	v59 =	vld.idx.msk [tilespmem:v0+s19+$0xFFFFFFE0 ss:$0x1], $0xffff;
	[tilespmem:s20+$0x10] =	vst v2  }
0x3c: {  	v60 =	vld.idx.msk [tilespmem:v0+s19+$0xFFFFFFF0 ss:$0x1], $0xffff;
	s31 =	sadd.s32 $0x400, s20;
	[tilespmem:s20+$0x20] =	vst v6  }
0x3d: {  	v61 =	vld.idx.msk [tilespmem:v0+s19+$0x0 ss:$0x1], $0xffff;
	[tilespmem:s31+$0x30] =	vst v56  }
0x3e: {  	v62 =	vld.idx.msk [tilespmem:v0+s19+$0x10 ss:$0x1], $0xffff;
	s18 =	sadd.s32 $0x1, s18;
	[tilespmem:s31+$0xFFFFFFC0] =	vst v57  }
0x3f: {  	v63 =	vld.idx.msk [tilespmem:v0+s19+$0x20 ss:$0x1], $0xffff;
	p1 =	sne.s32 s18, $0x8;
	[tilespmem:s31+$0xFFFFFFD0] =	vst v58  }
.Ltmp4:
0x40: {  	[tilespmem:s31+$0xFFFFFFE0] =	vst v59;
	(pc) =	sbr.rel @p1 .LBB1_4-.Ltmp4, $4  }
0x41: {  	[tilespmem:s31+$0xFFFFFFF0] =	vst v60  }
0x42: {  	[tilespmem:s31+$0x0] =	vst v61  }
0x43: {  	[tilespmem:s31+$0x10] =	vst v62  }
0x44: {  	s16 =	sadd.s32 $0x80, s16;
	s17 =	sadd.s32 $0x400, s17;
	[tilespmem:s31+$0x20] =	vst v63  }
.Ltmp5:
0x45: {  	(pc) =	sbr.rel @p0 .LBB1_3-.Ltmp5, $2  }
0x46: {  	_ =	sdelay $0x2  }
0x47: {  	s16 =	simm.s32 $0x2000;
	p1 =	por $0x0, $0x0  }
.Ltmp6:
0x48: {  	(pc) =	sbr.rel .LBB1_9-.Ltmp6, $4  }
0x49: {  	_ = 	snop  }
0x4a: {  	s12 =	sshll.u32 s12, $0xA  }
0x4b: {  	s12 =	sadd.s32 s4, s12  }
0x4c: {  	[hbm4b:s12+s8] =	stream.linear.scatter [tilespmem:s13], [sflag:$0x2], $0x4000, $0x38;
	[tilespmem:$0x10000] =	vst v63  }
.LBB1_10:
0x4d: {  	_ =	sfence.sel $0x180000  }
0x4e: {  	s2 =	simm.s32 $0x1;
	[bflag:$0x0] =	sbarrier.arrive $0xFFFF  }
0x4f: {  	s31 =	simm.s32 $0x2;
	[sflag:s2] =	ssyncpa.u1 $0x1  }
0x50: {  	[sflag:s31] =	ssyncpa.u1 $0x1  }
0x51: {  	p0 =	sne.s32 s0, $0x0;
	_ =	strace $0x90000047  }
0x52: {  	s0 =	sadd.s32 @!p0 $0x100000, s1;
	[bflag:$0x2] =	sbarrier.arrive $0xFFFF  }
0x53: {  	[sflag:s0] =	ssyncadd.tile.s32 @!p0 $0x1;
	_ =	shalt  }
.Lfunc_end1:
_tile_overlayer_lowered:
.L_overlay_start_2:
0x54: {  	(tag) =	ssettag $0x2  }
0x55: {  	s0 =	rddreg [dreg:$0x0];
	s2 =	stileid.u32  }
0x56: {  	s1 =	rddreg [dreg:$0x1];
	p0 =	sne.s32 s2, $0x0  }
0x57: {  	s3 =	rddreg [dreg:$0x2];
	[bflag:$0x3] =	sbarrier.arrive $0xFFFF;
	s2 =	simm.s32 @!p0 $0x1C01  }
0x58: {  	[timem:s3], [sflag:s2] =	dma.local @!p0 [hbm:s0], s1  }
0x59: {  	s0 =	simm.s32 @!p0 $0x1  }
0x5a: {  	_ =	swait.ge @!p0 [sflag:s0], s1  }
0x5b: {  	s1 =	ssub.s32 @!p0 $0x0, s1;
	[sflag:s0] =	ssyncset.done @!p0 $0x0  }
0x5c: {  	[sflag:s0] =	ssyncadd.s32 @!p0 s1  }
0x5d: {  	[bflag:$0x3] =	sbarrier.arrive $0xFFFF  }
0x5e: {  	_ =	shalt  }

</sc_bundles>
